<compile_context>
chip_gen: v7x
topology: tpu7x:2x2x1
jax: 0.10.2.dev20260603
libtpu: 0.0.44.dev20260713+nightly
codegen_flags: <defaults>
</compile_context>

<pallas_src>
import jax
import jax.numpy as jnp
from jax import lax
from jax.experimental import pallas as pl
from jax.experimental.pallas import tpu as pltpu
from jax.experimental.pallas import tpu_sc as plsc

_B, _C = 32, 256
_NC, _NS = 2, 16


def _sc_gather_body(table_hbm, idx_hbm, gb_hbm, idx_v, rows_v, sem):
    wid = lax.axis_index("s") * _NC + lax.axis_index("c")

    @pl.when(wid == 0)
    def _():
        pltpu.sync_copy(idx_hbm, idx_v)
        pltpu.async_copy(table_hbm.at[idx_v], rows_v, sem).wait()
        pltpu.sync_copy(rows_v, gb_hbm)


@jax.jit
def _sc_gather(embed_weight, idx):
    mesh = plsc.VectorSubcoreMesh(core_axis_name="c", subcore_axis_name="s", num_cores=1)
    return pl.kernel(
        _sc_gather_body,
        out_type=jax.ShapeDtypeStruct((_B, 2 * _C), jnp.float32),
        mesh=mesh,
        scratch_types=[
            pltpu.VMEM((_B,), jnp.int32),
            pltpu.VMEM((_B, 2 * _C), jnp.float32),
            pltpu.SemaphoreType.DMA,
        ],
    )(embed_weight, idx)


_NBUF = 4
_CHUNK = 4096


def _film_body(gb_ref, x_hbm, o_hbm, xb, ob, insems, outsems):
    M = x_hbm.shape[0]
    nchunk = M // _CHUNK
    rows_per_b = 64 * 64

    def in_copy(i, slot):
        return pltpu.make_async_copy(
            x_hbm.at[pl.ds(i * _CHUNK, _CHUNK)], xb.at[slot], insems.at[slot]
        )

    def out_copy(i, slot):
        return pltpu.make_async_copy(
            ob.at[slot], o_hbm.at[pl.ds(i * _CHUNK, _CHUNK)], outsems.at[slot]
        )

    for s in range(_NBUF):
        in_copy(s, s).start()

    def step(i, carry):
        slot = lax.rem(i, _NBUF)
        in_copy(i, slot).wait()

        @pl.when(i >= _NBUF)
        def _():
            out_copy(i - _NBUF, slot).wait()

        b = i // (rows_per_b // _CHUNK)
        g = 1.0 + gb_ref[pl.ds(b, 1), : _C]
        bt = gb_ref[pl.ds(b, 1), _C:]
        ob[slot] = xb[slot] * g + bt

        out_copy(i, slot).start()

        @pl.when(i + _NBUF < nchunk)
        def _():
            in_copy(i + _NBUF, slot).start()

        return carry

    lax.fori_loop(0, nchunk, step, 0)
    for k in range(_NBUF):
        i = nchunk - _NBUF + k
        out_copy(i, i % _NBUF).wait()


def _film(gb, x2d):
    M, C = x2d.shape
    return pl.pallas_call(
        _film_body,
        in_specs=[
            pl.BlockSpec(memory_space=pltpu.VMEM),
            pl.BlockSpec(memory_space=pl.ANY),
        ],
        out_specs=pl.BlockSpec(memory_space=pl.ANY),
        out_shape=jax.ShapeDtypeStruct(x2d.shape, x2d.dtype),
        scratch_shapes=[
            pltpu.VMEM((_NBUF, _CHUNK, C), jnp.float32),
            pltpu.VMEM((_NBUF, _CHUNK, C), jnp.float32),
            pltpu.SemaphoreType.DMA((_NBUF,)),
            pltpu.SemaphoreType.DMA((_NBUF,)),
        ],
    )(gb, x2d)


def kernel(x, band_idx, embed_weight):
    B, C, H, W = x.shape
    idx = band_idx.astype(jnp.int32)
    gb = _sc_gather(embed_weight, idx)
    x2d = jnp.transpose(x, (0, 2, 3, 1)).reshape(B * H * W, C)
    out2d = _film(gb, x2d)
    return jnp.transpose(out2d.reshape(B, H, W, C), (0, 3, 1, 2))

# --- scband reference (transcript-rebuilt; emitter-appended) ---
"""Pipeline reference for scband-fi-lm-76768245449609 (READ-ONLY COPY).

The authoritative reference and input builder live on the scoring server;
editing this copy changes nothing except your own understanding.
"""

import jax, jax.numpy as jnp
import numpy as np

B, C, H, W = 32, 256, 64, 64
NUM_BANDS = 64

def setup_inputs(seed: int = 0) -> dict:
    key = jax.random.key(seed)
    k1, k2, k3 = jax.random.split(key, 3)
    x = jax.random.normal(k1, (B, C, H, W), dtype=jnp.float32)
    band_idx = jax.random.randint(k2, (B,), 0, NUM_BANDS, dtype=jnp.int64 if jax.config.jax_enable_x64 else jnp.int32)
    # Module zero-inits the embedding (identity FiLM); we use small random weights
    # so the modulation math is actually exercised.
    embed_weight = jax.random.normal(k3, (NUM_BANDS, C * 2), dtype=jnp.float32) * 0.1
    return {"x": x, "band_idx": band_idx, "embed_weight": embed_weight}

def reference(x, band_idx, embed_weight):
    # embedding lookup: [B, 2C]
    gb = jnp.take(embed_weight, band_idx, axis=0)
    gamma, beta = jnp.split(gb, 2, axis=-1)
    gamma = gamma.reshape(x.shape[0], x.shape[1], 1, 1)
    beta = beta.reshape(x.shape[0], x.shape[1], 1, 1)
    return x * (1.0 + gamma) + beta

if __name__ == "__main__":
    import jax
    _d = setup_inputs()
    print(jax.jit(kernel)(*tuple(_d.values())))

</pallas_src>

<mosaic_0001>
#map = affine_map<(d0, d1) -> (0, 0)>
#map1 = affine_map<(d0, d1) -> (0)>
module attributes {stable_mosaic.version = 14 : i64} {
  func.func @_sc_gather_body(%arg0: i32, %arg1: i32, %arg2: memref<64x512xf32, #tpu.memory_space<hbm>>, %arg3: memref<32xi32, #tpu.memory_space<hbm>>, %arg4: memref<32x512xf32, #tpu.memory_space<hbm>>, %arg5: memref<32xi32, #tpu.memory_space<vmem>>, %arg6: memref<32x512xf32, #tpu.memory_space<vmem>>, %arg7: memref<!tpu.dma_semaphore, #tpu.memory_space<semaphore_mem>>) attributes {dimension_semantics = [#tpu.dimension_semantics<core_parallel>, #tpu.dimension_semantics<subcore_parallel>], iteration_bounds = array<i64: 1, 16>, scalar_prefetch = 0 : i64, scratch_operands = 3 : i64, tpu.core_type = #tpu.core_type<sc_vector_subcore>, window_params = [{transform_indices = #map}, {transform_indices = #map1}, {transform_indices = #map}]} {
    %mul3A = arith.constant 2 : i32
    %mul3A_0 = arith.muli %arg1, %mul3A : i32
    %add3A = arith.addi %mul3A_0, %arg0 : i32
    %eq3A = arith.constant 0 : i32
    %eq3A_1 = arith.cmpi eq, %add3A, %eq3A : i32
    %convert_element_type3A = arith.extui %eq3A_1 : i1 to i32
    %cond3A = arith.constant 0 : i32
    %cond3A_2 = arith.cmpi ne, %convert_element_type3A, %cond3A : i32
    scf.if %cond3A_2 {
      "tpu.region"() ({
        %run_scoped3A = tpu.sem_alloc : memref<!tpu.dma_semaphore, #tpu.memory_space<semaphore_mem>>
        tpu.enqueue_dma source(%arg3 : memref<32xi32, #tpu.memory_space<hbm>>) target(%arg5 : memref<32xi32, #tpu.memory_space<vmem>>) target_semaphore(%run_scoped3A : memref<!tpu.dma_semaphore, #tpu.memory_space<semaphore_mem>>)
        tpu.wait_dma2 semaphore(%run_scoped3A : memref<!tpu.dma_semaphore, #tpu.memory_space<semaphore_mem>>) src(%arg3 : memref<32xi32, #tpu.memory_space<hbm>>) dst(%arg5 : memref<32xi32, #tpu.memory_space<vmem>>)
        tpu.yield
      }) : () -> ()
      %dma_start3A = arith.constant 0 : i32
      %dma_start3A_3 = arith.constant 0 : i32
      %dma_start3A_4 = tpu.memref_slice %arg2[%dma_start3A, %dma_start3A_3] : memref<64x512xf32, #tpu.memory_space<hbm>> -> memref<64x512xf32, #tpu.memory_space<hbm>>
      tpu.enqueue_indirect_dma source(%dma_start3A_4 : memref<64x512xf32, #tpu.memory_space<hbm>>) target(%arg6 : memref<32x512xf32, #tpu.memory_space<vmem>>) offsets(%arg5 : memref<32xi32, #tpu.memory_space<vmem>>) semaphore(%arg7 : memref<!tpu.dma_semaphore, #tpu.memory_space<semaphore_mem>>)
      %dma_wait3A = arith.constant 0 : i32
      %dma_wait3A_5 = arith.constant 0 : i32
      %dma_wait3A_6 = tpu.memref_slice %arg2[%dma_wait3A, %dma_wait3A_5] : memref<64x512xf32, #tpu.memory_space<hbm>> -> memref<64x512xf32, #tpu.memory_space<hbm>>
      tpu.wait_indirect_dma semaphore(%arg7 : memref<!tpu.dma_semaphore, #tpu.memory_space<semaphore_mem>>) src(%dma_wait3A_6 : memref<64x512xf32, #tpu.memory_space<hbm>>) dst(%arg6 : memref<32x512xf32, #tpu.memory_space<vmem>>)
      "tpu.region"() ({
        %run_scoped3A = tpu.sem_alloc : memref<!tpu.dma_semaphore, #tpu.memory_space<semaphore_mem>>
        tpu.enqueue_dma source(%arg6 : memref<32x512xf32, #tpu.memory_space<vmem>>) target(%arg4 : memref<32x512xf32, #tpu.memory_space<hbm>>) target_semaphore(%run_scoped3A : memref<!tpu.dma_semaphore, #tpu.memory_space<semaphore_mem>>)
        tpu.wait_dma2 semaphore(%run_scoped3A : memref<!tpu.dma_semaphore, #tpu.memory_space<semaphore_mem>>) src(%arg6 : memref<32x512xf32, #tpu.memory_space<vmem>>) dst(%arg4 : memref<32x512xf32, #tpu.memory_space<hbm>>)
        tpu.yield
      }) : () -> ()
    } else {
    }
    return
  }
}

</mosaic_0001>

<sc_bundles>
// kernel: _sc_gather.3.cloned.1.call-start
scs
__scs_entry_jumppad:
0x0: {  	(pc) =	sbr.rel $0x88, $3  }
0x1: {  	(tag) =	ssettag $0x0;
	lr =	simm.s32 $0x1  }
0x2: {  	[smem:$0x3F9F] =	sst lr;
	_ =	strace $0xD0000000  }
0x3: {  	_ = 	snop  }
0x4: {  	_ = 	snop  }
0x5: {  	_ = 	snop  }
0x6: {  	_ = 	snop  }
0x7: {  	_ = 	snop  }
__scs_overlays_trampoline_lowered:
0x8: {  	[smem:$0x3FAE] =	sst s0  }
0x9: {  	[smem:$0x3FAF] =	sst s1  }
0xa: {  	[smem:$0x3FB0] =	sst s2  }
0xb: {  	[smem:$0x3FB1] =	sst s3  }
0xc: {  	[smem:$0x3FB2] =	sst s4  }
0xd: {  	[smem:$0x3FB3] =	sst s5  }
0xe: {  	[smem:$0x3FB4] =	sst s6  }
0xf: {  	[smem:$0x3FB5] =	sst s7  }
0x10: {  	[smem:$0x3FB6] =	sst s8  }
0x11: {  	[smem:$0x3FB7] =	sst s9;
	s0 =	simm.s32 @!p0 $0x0  }
0x12: {  	s1 =	sld [smem:$0x3F9D];
	s0 =	simm.s32 @p0 $0x1  }
0x13: {  	[smem:$0x3FB8] =	sst s0;
	s0 =	simm.s32 @!p1 $0x0  }
0x14: {  	s2 =	sld [smem:$0x3F9C];
	s0 =	simm.s32 @p1 $0x1  }
0x15: {  	[smem:$0x3FB9] =	sst s0;
	s0 =	simm.s32 @!p2 $0x0  }
0x16: {  	s3 =	sld [smem:$0x3FDB];
	s0 =	simm.s32 @p2 $0x1  }
0x17: {  	s4 =	simm.s32 $0x1BF5;
	[smem:$0x3FBB] =	sst s0  }
0x18: {  	s0 =	sld [smem:$0x3F9E];
	_ =	swait.ge [sflag:s4], $0x0  }
0x19: {  	s7 =	sld [smem:$0x3F9F]  }
0x1a: {  	s8 =	sadd.s32 $0xFFFFE003, lr  }
0x1b: {  	s9 =	sadd.s32 $0xFFFFFEF7, lr;
	s5 =	simm.s32 $0xFFFFFFFF;
	p2 =	slt.u32 s8, $0xFFFFF086  }
0x1c: {  	p1 =	slt.u32 s9, $0xF7A;
	s5 =	simm.s32 @!p2 $0x0  }
0x1d: {  	s5 =	simm.s32 @p1 $0x1;
	p0 =	seq.s32 s7, s2  }
0x1e: {  	s7 =	smul.u32 @!p0 $0xF7A, s2;
	p2 =	seq.s32 @!p0 s5, $0x0  }
0x1f: {  	s9 =	smul.u32 $0xF7A, s1;
	s8 =	simm.s32 @!p0 $0x1BF5;
	p2 =	por !p2, p0  }
0x20: {  	[sflag:s8] =	ssyncset.s32 @!p0 $0xFFFFF086;
	s6 =	sadd.s32 @!p0 s3, s7;
	s7 =	simm.s32 @!p0 $0x108  }
0x21: {  	s3 =	sadd.s32 s3, s9;
	s6 =	sadd.s32 @!p0 $0x88, s6;
	s7 =	simm.s32 @p2 $0x1082  }
0x22: {  	[simem:s7], [sflag:s8] =	dma.local @!p0 [hbm:s6], $0xF7A  }
0x23: {  	s9 =	sor.u32 $0xD0000000, s2;
	s6 =	simm.s32 $0x108;
	_ =	swait.ge @!p0 [sflag:s8], $0x0  }
0x24: {  	s3 =	sadd.s32 $0x88, s3;
	s6 =	simm.s32 @!p1 $0x1082;
	[sflag:s4] =	ssyncset.s32 $0xFFFFF086  }
0x25: {  	[simem:s6], [sflag:s4] =	dma.local [hbm:s3], $0xF7A  }
0x26: {  	[smem:$0x3F9F] =	sst s1;
	(tag) =	ssettag s2;
	_ =	strace s9  }
0x27: {  	s1 =	sld [smem:$0x3FAF]  }
0x28: {  	s2 =	sld [smem:$0x3FB0]  }
0x29: {  	s4 =	sld [smem:$0x3FB2]  }
0x2a: {  	p0 =	seq.s32 s5, $0x0;
	s5 =	sld [smem:$0x3FB3]  }
0x2b: {  	s6 =	sld [smem:$0x3FB4]  }
0x2c: {  	s7 =	sld [smem:$0x3FB5]  }
0x2d: {  	s3 =	simm.s32 $0x108;
	s8 =	sld [smem:$0x3FB6]  }
0x2e: {  	s3 =	simm.s32 @!p0 $0x1082;
	s9 =	sld [smem:$0x3FB7]  }
0x2f: {  	lr =	sadd.s32 s0, s3;
	s0 =	sld [smem:$0x3FAE]  }
0x30: {  	s3 =	sld [smem:$0x3FB1]  }
0x31: {  	[smem:$0x3FBA] =	sst s10  }
0x32: {  	s10 =	sld [smem:$0x3FB8];
	_ =	sdelay $0x3  }
0x33: {  	p0 =	seq.s32 s10, $0x1;
	s10 =	sld [smem:$0x3FBA];
	_ =	sdelay $0x3  }
0x34: {  	[smem:$0x3FBA] =	sst s10  }
0x35: {  	s10 =	sld [smem:$0x3FB9];
	_ =	sdelay $0x3  }
0x36: {  	p1 =	seq.s32 s10, $0x1;
	s10 =	sld [smem:$0x3FBA];
	_ =	sdelay $0x3  }
0x37: {  	[smem:$0x3FBA] =	sst s10  }
0x38: {  	s10 =	sld [smem:$0x3FBB]  }
0x39: {  	_ = 	snop;
	(pc) =	sbr.ind lr, $3  }
0x3a: {  	_ = 	snop  }
0x3b: {  	_ = 	snop  }
0x3c: {  	p2 =	seq.s32 s10, $0x1;
	s10 =	sld [smem:$0x3FBA]  }
0x3d: {  	_ =	shalt  }
0x3e: {  	_ =	shalt  }
0x3f: {  	_ =	shalt  }
0x40: {  	_ =	shalt  }
0x41: {  	_ =	shalt  }
0x42: {  	_ =	shalt  }
0x43: {  	_ =	shalt  }
0x44: {  	_ =	shalt  }
0x45: {  	_ =	shalt  }
0x46: {  	_ =	shalt  }
0x47: {  	_ =	shalt  }
0x48: {  	_ =	shalt  }
0x49: {  	_ =	shalt  }
0x4a: {  	_ =	shalt  }
0x4b: {  	_ =	shalt  }
0x4c: {  	_ =	shalt  }
0x4d: {  	_ =	shalt  }
0x4e: {  	_ =	shalt  }
0x4f: {  	_ =	shalt  }
0x50: {  	_ =	shalt  }
0x51: {  	_ =	shalt  }
0x52: {  	_ =	shalt  }
0x53: {  	_ =	shalt  }
0x54: {  	_ =	shalt  }
0x55: {  	_ =	shalt  }
0x56: {  	_ =	shalt  }
0x57: {  	_ =	shalt  }
0x58: {  	_ =	shalt  }
0x59: {  	_ =	shalt  }
0x5a: {  	_ =	shalt  }
0x5b: {  	_ =	shalt  }
0x5c: {  	_ =	shalt  }
0x5d: {  	_ =	shalt  }
0x5e: {  	_ =	shalt  }
0x5f: {  	_ =	shalt  }
0x60: {  	_ =	shalt  }
0x61: {  	_ =	shalt  }
0x62: {  	_ =	shalt  }
0x63: {  	_ =	shalt  }
0x64: {  	_ =	shalt  }
0x65: {  	_ =	shalt  }
0x66: {  	_ =	shalt  }
0x67: {  	_ =	shalt  }
0x68: {  	_ =	shalt  }
0x69: {  	_ =	shalt  }
0x6a: {  	_ =	shalt  }
0x6b: {  	_ =	shalt  }
0x6c: {  	_ =	shalt  }
0x6d: {  	_ =	shalt  }
0x6e: {  	_ =	shalt  }
0x6f: {  	_ =	shalt  }
0x70: {  	_ =	shalt  }
0x71: {  	_ =	shalt  }
0x72: {  	_ =	shalt  }
0x73: {  	_ =	shalt  }
0x74: {  	_ =	shalt  }
0x75: {  	_ =	shalt  }
0x76: {  	_ =	shalt  }
0x77: {  	_ =	shalt  }
0x78: {  	_ =	shalt  }
0x79: {  	_ =	shalt  }
0x7a: {  	_ =	shalt  }
0x7b: {  	_ =	shalt  }
0x7c: {  	_ =	shalt  }
0x7d: {  	_ =	shalt  }
0x7e: {  	_ =	shalt  }
0x7f: {  	_ =	shalt  }
0x80: {  	_ =	shalt  }
0x81: {  	_ =	shalt  }
0x82: {  	_ =	shalt  }
0x83: {  	_ =	shalt  }
0x84: {  	_ =	shalt  }
0x85: {  	_ =	shalt  }
0x86: {  	_ =	shalt  }
0x87: {  	_ =	shalt  }
.Lfunc_end0:
.L_simem_size_0:
called_computation_lowered:
.L_overlay_start_0:
0x88: {  	s0 =	sld [smem:$0x3FD9]  }
0x89: {  	s1 =	sld [smem:$0x3FFE];
	_ =	sdelay $0x3  }
0x8a: {  	s0 =	sadd.s32 s1, s0  }
0x8b: {  	[smem:$0x3FC6] =	sst s0  }
0x8c: {  	_ = 	snop  }
0x8d: {  	s0 =	sld [smem:$0x3FC9]  }
0x8e: {  	s17 =	sld [smem:$0x3FC8]  }
0x8f: {  	s2 =	sld [smem:$0x3FD0];
	(tm) =	ssettm $0x1  }
0x90: {  	s3 =	sld [smem:$0x3FFB];
	_ =	sdelay $0x3  }
0x91: {  	_ =	strace s3  }
0x92: {  	s3 =	sld [smem:$0x3FFC];
	_ =	sdelay $0x3  }
0x93: {  	_ =	strace s3  }
0x94: {  	s3 =	sld [smem:$0x3FFD];
	_ =	sdelay $0x3  }
0x95: {  	_ =	strace s3  }
0x96: {  	_ =	strace $0x8FFFFFFF  }
0x97: {  	s18 =	sld [smem:$0x3FDB];
	_ =	sdelay $0x1  }
0x98: {  	s4 =	simm.s32 $_scs_section_size  }
0x99: {  	s5 =	simm.s32 $_size__tile_overlayer_lowered;
	s6 =	simm.s32 $_tile_overlayer_lowered  }
0x9a: {  	s21 =	simm.s32 $0x1BFF;
	s20 =	sshll.u32 s6, $0x1;
	s3 =	sadd.s32 s4, s18  }
0x9b: {  	s7 =	simm.s32 $0x0;
	s19 =	sshll.u32 s5, $0x1;
	s5 =	sadd.s32 s20, s3  }
0x9c: {  	[timem:s7], [sflag:s21] =	dma.local [hbm:s5], s19  }
0x9d: {  	_ =	swait.ge [sflag:s21], s19  }
0x9e: {  	s4 =	ssub.s32 $0x0, s19;
	[sflag:s21] =	ssyncset.done $0x0  }
0x9f: {  	[sflag:s21] =	ssyncadd.s32 s4;
	_ =	sdelay $0x1  }
0xa0: {  	s22 =	simm.s32 $0x1B8B  }
0xa1: {  	_ =	swait.ge [sflag:s22], $0x1  }
0xa2: {  	[sflag:s22] =	ssyncset.done $0x0  }
0xa3: {  	s23 =	simm.s32 $0x1B8E;
	[sflag:s22] =	ssyncadd.s32 $0xFFFFFFFF  }
0xa4: {  	s24 =	simm.s32 $execute0_lowered;
	[smem:$0x3FD2] =	sst s23  }
0xa5: {  	s4 =	sshll.u32 s24, $0x1;
	_ =	strace $0x80000046;
	[dreg:$0x1] =	wrdreg $0xFFFFFFFF  }
0xa6: {  	s25 =	simm.s32 $_size_execute0_lowered;
	s3 =	sadd.s32 s3, s4;
	[dreg:$0x0] =	wrdreg $0x0  }
0xa7: {  	s4 =	sshll.u32 s25, $0x1;
	[dreg:$0x2] =	wrdreg s3  }
0xa8: {  	[dreg:$0x3] =	wrdreg s4  }
0xa9: {  	[dreg:$0x4] =	wrdreg $0xC0  }
0xaa: {  	_ =	task [dreg:s7], $0x5FFFF  }
0xab: {  	[dreg:$0x1] =	wrdreg $0xFFFFFFFF  }
0xac: {  	[dreg:$0x0] =	wrdreg $0x60  }
0xad: {  	[dreg:$0x2] =	wrdreg s0  }
0xae: {  	[dreg:$0x3] =	wrdreg s17  }
0xaf: {  	[dreg:$0x4] =	wrdreg s2  }
0xb0: {  	[dreg:$0x5] =	wrdreg $0x9  }
0xb1: {  	_ =	task.clear_ibuf [dreg:s7], $0x6FFFF;
	_ =	strace $0x90000046  }
0xb2: {  	s26 =	simm.s32 $0x9;
	_ =	strace $0x80000048  }
0xb3: {  	_ =	swait.ge [sflag:s26], $0x1  }
0xb4: {  	[sflag:s26] =	ssyncadd.s32 $0xFFFFFFFF  }
0xb5: {  	_ =	strace $0x90000048  }
0xb6: {  	_ =	sfence  }
0xb7: {  	s28 =	sld [smem:$0x0];
	_ =	sdelay $0x1  }
0xb8: {  	s29 =	srdreg.scid  }
0xb9: {  	s30 =	sshll.u32 s29, $0xD;
	s31 =	sshrl.u32 s29, $0x2  }
0xba: {  	s1 =	sand.u32 $0x1, s29;
	s2 =	sand.u32 $0x4000, s30;
	s0 =	sadd.s32 s31, s28  }
0xbb: {  	s1 =	sor.u32 s2, s1;
	s0 =	sshll.u32 s0, $0x11  }
0xbc: {  	s0 =	sor.u32 s0, s1  }
0xbd: {  	s0 =	sadd.s32 $0x8F2B, s0  }
0xbe: {  	[sflag:s0] =	ssyncadd.remote.s32 $0x1  }
0xbf: {  	_ =	sfence.sel $0xFFFF  }
0xc0: {  	[dreg:$0x0] =	wrdreg $0xFFFFFFFF;
	(pc) =	sbr.abs _section_cstart, $3  }
0xc1: {  	[dreg:$0x1] =	wrdreg $0xFFFFFFFF  }
0xc2: {  	_ =	task.clear_ibuf [dreg:s7], $0x2FFFF;
	_ =	strace $0x9FFFFFFF  }
0xc3: {  	(tm) =	ssettm $0x7FFFFFFF  }
tec
execute0_lowered:
.L_overlay_start_1:
0x0: {  	(tag) =	ssettag $0x1  }
0x1: {  	s1 =	rddreg [dreg:$0x0]  }
0x2: {  	s2 =	rddreg [dreg:$0x1]  }
0x3: {  	s3 =	rddreg [dreg:$0x2];
	s4 =	stileid.u32  }
0x4: {  	s0 =	rddreg [dreg:$0x3];
	_ =	strace $0x80000047;
	p0 =	sne.s32 s4, $0x0  }
0x5: {  	_ =	sfence.sel @p0 $0x180000  }
0x6: {  	[bflag:$0x0] =	sbarrier.arrive @p0 $0xFFFF  }
0x7: {  	_ =	strace @p0 $0x90000047  }
0x8: {  	s4 =	simm.s32 @!p0 $0x0;
	[bflag:$0x2] =	sbarrier.arrive @p0 $0xFFFF  }
0x9: {  	[tilespmem:s4], [sflag:$0x2] =	stream.linear.gather @!p0 [hbm4b:s2+s4], $0x80, $0x38;
	[tilespmem:$0x4080] =	vst v63  }
0xa: {  	s2 =	simm.s32 @!p0 $0x2  }
0xb: {  	_ =	swait.ge @!p0 [sflag:s2], $0x80  }
0xc: {  	[sflag:s2] =	ssyncset.done @!p0 $0x0  }
0xd: {  	[sflag:s2] =	ssyncadd.s32 @!p0 $0xFFFFFF80  }
0xe: {  	v0 =	vld @!p0 [tilespmem:$0x0];
	_ =	sdelay $0x4  }
0xf: {  	v1 =	vshll.u32 @!p0 v0, $0x2  }
0x10: {  	v2 =	vlaneseq.u32 @!p0;
	v0 =	vand.u32 @!p0 $0x7, v0;
	v1 =	vand.u32 @!p0 $0xFFFFFFE0, v1  }
0x11: {  	v3 =	vshrl.u32 @!p0 v2, $0x3;
	v0 =	vor.u32 @!p0 v0, v1;
	v1 =	vand.u32 @!p0 $0x7, v2  }
0x12: {  	v3 =	vmul.u32 @!p0 $0x8, v3;
	v4 =	vperm.xlane @!p0 v0, v1;
	_ =	sdelay $0x1  }
0x13: {  	v4 =	vadd.s32 @!p0 v3, v4  }
0x14: {  	v2 =	vor.u32 @!p0 $0x8, v2  }
0x15: {  	v0 =	vperm.xlane @!p0 v0, v2;
	_ =	sdelay $0x1  }
0x16: {  	vm0 =	vmmov @!p0 $0xffff;
	s5 =	simm.s32 @!p0 $0x80;
	v0 =	vadd.s32 @!p0 v3, v0  }
0x17: {  	[tilespmem:s5], [sflag:$0x1] =	stream.indirect_vreg.gather @!p0 [hbm4b:s1+s4], $0x80, v4, vm0, $0xb8;
	[tilespmem:$0x4080] =	vst v63  }
0x18: {  	s6 =	sadd.s32 @!p0 $0x100, s1;
	s7 =	simm.s32 @!p0 $0x880  }
0x19: {  	[tilespmem:s7], [sflag:$0x1] =	stream.indirect_vreg.gather @!p0 [hbm4b:s6+s4], $0x80, v4, vm0, $0xb8;
	[tilespmem:$0x4080] =	vst v63  }
0x1a: {  	s7 =	simm.s32 @!p0 $0x1080  }
0x1b: {  	[tilespmem:s7], [sflag:$0x1] =	stream.indirect_vreg.gather @!p0 [hbm4b:s1+s4], $0x80, v0, vm0, $0xb8;
	[tilespmem:$0x4080] =	vst v63  }
0x1c: {  	s7 =	simm.s32 @!p0 $0x1880  }
0x1d: {  	[tilespmem:s7], [sflag:$0x1] =	stream.indirect_vreg.gather @!p0 [hbm4b:s6+s4], $0x80, v0, vm0, $0xb8;
	[tilespmem:$0x4080] =	vst v63  }
0x1e: {  	v0 =	vld @!p0 [tilespmem:$0x10];
	_ =	sdelay $0x4  }
0x1f: {  	v4 =	vshll.u32 @!p0 v0, $0x2  }
0x20: {  	v0 =	vand.u32 @!p0 $0x7, v0;
	v4 =	vand.u32 @!p0 $0xFFFFFFE0, v4  }
0x21: {  	v0 =	vor.u32 @!p0 v0, v4  }
0x22: {  	v1 =	vperm.xlane @!p0 v0, v1;
	_ =	sdelay $0x1  }
0x23: {  	v1 =	vadd.s32 @!p0 v3, v1;
	_ =	sdelay $0x1  }
0x24: {  	v0 =	vperm.xlane @!p0 v0, v2;
	_ =	sdelay $0x1  }
0x25: {  	s7 =	simm.s32 @!p0 $0x2080;
	v0 =	vadd.s32 @!p0 v3, v0  }
0x26: {  	[tilespmem:s7], [sflag:$0x1] =	stream.indirect_vreg.gather @!p0 [hbm4b:s1+s4], $0x80, v1, vm0, $0xb8;
	[tilespmem:$0x4080] =	vst v63  }
0x27: {  	s7 =	simm.s32 @!p0 $0x2880  }
0x28: {  	[tilespmem:s7], [sflag:$0x1] =	stream.indirect_vreg.gather @!p0 [hbm4b:s6+s4], $0x80, v1, vm0, $0xb8;
	[tilespmem:$0x4080] =	vst v63  }
0x29: {  	s7 =	simm.s32 @!p0 $0x3080  }
0x2a: {  	[tilespmem:s7], [sflag:$0x1] =	stream.indirect_vreg.gather @!p0 [hbm4b:s1+s4], $0x80, v0, vm0, $0xb8;
	[tilespmem:$0x4080] =	vst v63  }
0x2b: {  	s1 =	simm.s32 @!p0 $0x3880  }
0x2c: {  	[tilespmem:s1], [sflag:$0x1] =	stream.indirect_vreg.gather @!p0 [hbm4b:s6+s4], $0x80, v0, vm0, $0xb8;
	[tilespmem:$0x4080] =	vst v63  }
0x2d: {  	s1 =	simm.s32 @!p0 $0x1  }
0x2e: {  	_ =	swait.ge @!p0 [sflag:s1], $0x4000  }
0x2f: {  	[sflag:s1] =	ssyncset.done @!p0 $0x0  }
0x30: {  	[sflag:s1] =	ssyncadd.s32 @!p0 $0xFFFFC000  }
0x31: {  	[hbm4b:s3+s4] =	stream.linear.scatter @!p0 [tilespmem:s5], [sflag:$0x2], $0x4000, $0x38;
	[tilespmem:$0x4080] =	vst v63  }
0x32: {  	_ =	swait.ge @!p0 [sflag:s2], $0x4000  }
0x33: {  	[sflag:s2] =	ssyncset.done @!p0 $0x0  }
0x34: {  	[sflag:s2] =	ssyncadd.s32 @!p0 $0xFFFFC000  }
0x35: {  	_ =	sfence.sel @!p0 $0x180000  }
0x36: {  	[bflag:$0x0] =	sbarrier.arrive @!p0 $0xFFFF  }
0x37: {  	_ =	strace @!p0 $0x90000047  }
0x38: {  	s0 =	sadd.s32 @!p0 $0x100000, s0;
	[bflag:$0x2] =	sbarrier.arrive @!p0 $0xFFFF  }
0x39: {  	[sflag:s0] =	ssyncadd.tile.s32 @!p0 $0x1;
	_ =	shalt  }
.Lfunc_end2:
_tile_overlayer_lowered:
.L_overlay_start_2:
0x3a: {  	(tag) =	ssettag $0x2  }
0x3b: {  	s0 =	rddreg [dreg:$0x0];
	s2 =	stileid.u32  }
0x3c: {  	s1 =	rddreg [dreg:$0x1];
	p0 =	sne.s32 s2, $0x0  }
0x3d: {  	s3 =	rddreg [dreg:$0x2];
	[bflag:$0x3] =	sbarrier.arrive $0xFFFF;
	s2 =	simm.s32 @!p0 $0x1C02  }
0x3e: {  	[timem:s3], [sflag:s2] =	dma.local @!p0 [hbm:s0], s1  }
0x3f: {  	s0 =	simm.s32 @!p0 $0x2  }
0x40: {  	_ =	swait.ge @!p0 [sflag:s0], s1  }
0x41: {  	s1 =	ssub.s32 @!p0 $0x0, s1;
	[sflag:s0] =	ssyncset.done @!p0 $0x0  }
0x42: {  	[sflag:s0] =	ssyncadd.s32 @!p0 s1  }
0x43: {  	[bflag:$0x3] =	sbarrier.arrive $0xFFFF  }
0x44: {  	_ =	shalt  }

</sc_bundles>
